<compile_context>
chip_gen: v7x
topology: tpu7x:2x2x1
jax: 0.10.2.dev20260603
libtpu: 0.0.44.dev20260713+nightly
codegen_flags: <defaults>
</compile_context>

<pallas_src>
import functools

import jax
import jax.numpy as jnp
from jax import lax
from jax.experimental import pallas as pl
from jax.experimental.pallas import tpu as pltpu
from jax.experimental.pallas import tpu_sc as plsc

B = 8192
V = 8192
D = 64
BR = 512
BC = 2048
NR = B // BR
NCT = V // BC
LOSS_SCALE = 1.25 / (B * D)

SC_CORES = 2
SC_SUBCORES = 16
NW = SC_CORES * SC_SUBCORES
BPW = B // NW
DP = 128
CHUNK = 128
NCH = BPW // CHUNK


def _argmin_body(x_ref, c_ref, ids_ref, loss_ref, run_val, run_idx, loss_acc):
    i = pl.program_id(0)
    j = pl.program_id(1)
    xb = x_ref[...].astype(jnp.bfloat16)
    cb = c_ref[...].astype(jnp.bfloat16)
    x = xb.astype(jnp.float32)
    c = cb.astype(jnp.float32)
    mm = lax.dot_general(xb, cb, (((1,), (1,)), ((), ())),
                         preferred_element_type=jnp.float32)
    cn = jnp.sum(c * c, axis=1)[None, :]
    xn = jnp.sum(x * x, axis=1, keepdims=True)
    dist = (xn + cn) - 2.0 * mm
    idx = lax.broadcasted_iota(jnp.int32, (BR, BC), 1) + j * BC

    @pl.when(j == 0)
    def _():
        run_val[...] = dist
        run_idx[...] = idx

    @pl.when(j > 0)
    def _():
        prev = run_val[...]
        pred = dist < prev
        run_val[...] = jnp.where(pred, dist, prev)
        run_idx[...] = jnp.where(pred, idx, run_idx[...])

    @pl.when(j == NCT - 1)
    def _():
        vals = run_val[...]
        m = jnp.min(vals, axis=1, keepdims=True)
        cand = jnp.where(vals == m, run_idx[...], jnp.int32(2**31 - 1))
        ids_ref[...] = jnp.min(cand, axis=1)
        part = jnp.sum(m)

        @pl.when(i == 0)
        def _():
            loss_acc[0] = part

        @pl.when(i > 0)
        def _():
            loss_acc[0] = loss_acc[0] + part

        @pl.when(i == NR - 1)
        def _():
            loss_ref[0] = loss_acc[0] * LOSS_SCALE


def _argmin_call(x, codebook):
    return pl.pallas_call(
        _argmin_body,
        grid=(NR, NCT),
        in_specs=[
            pl.BlockSpec((BR, D), lambda i, j: (i, 0)),
            pl.BlockSpec((BC, D), lambda i, j: (j, 0)),
        ],
        out_specs=[
            pl.BlockSpec((BR,), lambda i, j: (i,)),
            pl.BlockSpec((1,), lambda i, j: (0,), memory_space=pltpu.SMEM),
        ],
        out_shape=[
            jax.ShapeDtypeStruct((B,), jnp.int32),
            jax.ShapeDtypeStruct((1,), jnp.float32),
        ],
        scratch_shapes=[
            pltpu.VMEM((BR, BC), jnp.float32),
            pltpu.VMEM((BR, BC), jnp.int32),
            pltpu.SMEM((1,), jnp.float32),
        ],
    )(x, codebook)


@functools.lru_cache(maxsize=None)
def _sc_gather_fn():
    mesh = plsc.VectorSubcoreMesh(core_axis_name="c", subcore_axis_name="s")

    @functools.partial(
        pl.kernel,
        mesh=mesh,
        out_type=jax.ShapeDtypeStruct((B, DP), jnp.float32),
        scratch_types=[
            pltpu.VMEM((NCH, CHUNK), jnp.int32),
            pltpu.VMEM((NCH, CHUNK, DP), jnp.float32),
            pltpu.SemaphoreType.DMA,
        ],
    )
    def _gather(table_hbm, idx_hbm, out_hbm, idx_v, rows_v, sem):
        wid = lax.axis_index("s") * SC_CORES + lax.axis_index("c")
        base = wid * BPW
        for k in range(NCH):
            pltpu.sync_copy(idx_hbm.at[pl.ds(base + k * CHUNK, CHUNK)],
                            idx_v.at[k])
        copies = [
            pltpu.async_copy(table_hbm.at[idx_v.at[k]], rows_v.at[k], sem)
            for k in range(NCH)
        ]
        for cp in copies:
            cp.wait()
        for k in range(NCH):
            pltpu.sync_copy(rows_v.at[k],
                            out_hbm.at[pl.ds(base + k * CHUNK, CHUNK)])

    return _gather


def kernel(x, codebook, temperature):
    ids, loss = _argmin_call(x, codebook)
    cb_padded = jnp.concatenate(
        [codebook, jnp.zeros((V, DP - D), codebook.dtype)], axis=1)
    emb_out = _sc_gather_fn()(cb_padded, ids)[:, :D]
    return emb_out, ids, loss[0]

# --- scband reference (transcript-rebuilt; emitter-appended) ---
"""Pipeline reference for scband-quantize-14826227106282 (READ-ONLY COPY).

The authoritative reference and input builder live on the scoring server;
editing this copy changes nothing except your own understanding.
"""

import jax, jax.numpy as jnp
import numpy as np

B = 8192
N_EMBED = 8192
EMBED_DIM = 64
COMMITMENT_WEIGHT = 0.25


def setup_inputs(seed: int = 0) -> dict:
    key = jax.random.key(seed)
    k1, k2 = jax.random.split(key)
    x = jax.random.normal(k1, (B, EMBED_DIM), dtype=jnp.float32)
    # nn.Embedding weight, init'd with nn.init.uniform_ -> U[0,1)
    codebook = jax.random.uniform(k2, (N_EMBED, EMBED_DIM), dtype=jnp.float32)
    temperature = jnp.float32(1.0)
    return {"x": x, "codebook": codebook, "temperature": temperature}


def reference(x, codebook, temperature):
    # out_proj is Identity (sim_vq=False, codebook_normalize=False)
    # L2 distance: ||x||^2 + ||c||^2 - 2 x @ c^T
    dist = (x ** 2).sum(axis=1, keepdims=True) \
         + (codebook.T ** 2).sum(axis=0, keepdims=True) \
         - 2.0 * (x @ codebook.T)
    ids = jnp.argmin(jax.lax.stop_gradient(dist), axis=1)
    # STE forward mode (QuantizeForwardMode.STE), training path
    emb = jnp.take(codebook, ids, axis=0)
    emb_out = x + jax.lax.stop_gradient(emb - x)
    # QuantizeLoss: codebook loss + commitment_weight * commitment loss
    emb_loss = jnp.mean((jax.lax.stop_gradient(x) - emb) ** 2)
    query_loss = jnp.mean((x - jax.lax.stop_gradient(emb)) ** 2)
    loss = emb_loss + COMMITMENT_WEIGHT * query_loss
    return (emb_out, ids, loss)

if __name__ == "__main__":
    import jax
    _d = setup_inputs()
    print(jax.jit(kernel)(*tuple(_d.values())))

</pallas_src>

<mosaic_0001>
#map = affine_map<(d0, d1) -> (0, 0)>
#map1 = affine_map<(d0, d1) -> (0)>
module attributes {stable_mosaic.version = 14 : i64} {
  func.func @_gather(%arg0: i32, %arg1: i32, %arg2: memref<8192x128xf32, #tpu.memory_space<hbm>>, %arg3: memref<8192xi32, #tpu.memory_space<hbm>>, %arg4: memref<8192x128xf32, #tpu.memory_space<hbm>>, %arg5: memref<2x128xi32, #tpu.memory_space<vmem>>, %arg6: memref<2x128x128xf32, #tpu.memory_space<vmem>>, %arg7: memref<!tpu.dma_semaphore, #tpu.memory_space<semaphore_mem>>) attributes {dimension_semantics = [#tpu.dimension_semantics<core_parallel>, #tpu.dimension_semantics<subcore_parallel>], iteration_bounds = array<i64: 2, 16>, scalar_prefetch = 0 : i64, scratch_operands = 3 : i64, tpu.core_type = #tpu.core_type<sc_vector_subcore>, window_params = [{transform_indices = #map}, {transform_indices = #map1}, {transform_indices = #map}]} {
    %mul3A = arith.constant 2 : i32
    %mul3A_0 = arith.muli %arg1, %mul3A : i32
    %add3A = arith.addi %mul3A_0, %arg0 : i32
    %mul3A_1 = arith.constant 256 : i32
    %mul3A_2 = arith.muli %add3A, %mul3A_1 : i32
    %add3A_3 = arith.constant 0 : i32
    %add3A_4 = arith.addi %mul3A_2, %add3A_3 : i32
    %run_scoped3A = arith.constant 0 : i32
    "tpu.region"() ({
      %run_scoped3A_60 = tpu.sem_alloc : memref<!tpu.dma_semaphore, #tpu.memory_space<semaphore_mem>>
      %dma_start3A_61 = arith.constant 0 : i32
      %dma_start3A_62 = tpu.memref_slice %arg5[%run_scoped3A, %dma_start3A_61] : memref<2x128xi32, #tpu.memory_space<vmem>> -> memref<1x128xi32, #tpu.memory_space<vmem>>
      %dma_start3A_63 = tpu.memref_squeeze %dma_start3A_62 : memref<1x128xi32, #tpu.memory_space<vmem>> -> memref<128xi32, #tpu.memory_space<vmem>>
      %dma_start3A_64 = tpu.memref_slice %arg3[%add3A_4] : memref<8192xi32, #tpu.memory_space<hbm>> -> memref<128xi32, #tpu.memory_space<hbm>>
      %dma_start3A_65 = arith.constant 0 : i32
      %dma_start3A_66 = tpu.memref_slice %arg5[%run_scoped3A, %dma_start3A_65] : memref<2x128xi32, #tpu.memory_space<vmem>> -> memref<1x128xi32, #tpu.memory_space<vmem>>
      %dma_start3A_67 = tpu.memref_squeeze %dma_start3A_66 : memref<1x128xi32, #tpu.memory_space<vmem>> -> memref<128xi32, #tpu.memory_space<vmem>>
      %dma_start3A_68 = tpu.memref_slice %arg3[%add3A_4] : memref<8192xi32, #tpu.memory_space<hbm>> -> memref<128xi32, #tpu.memory_space<hbm>>
      tpu.enqueue_dma source(%dma_start3A_68 : memref<128xi32, #tpu.memory_space<hbm>>) target(%dma_start3A_67 : memref<128xi32, #tpu.memory_space<vmem>>) target_semaphore(%run_scoped3A_60 : memref<!tpu.dma_semaphore, #tpu.memory_space<semaphore_mem>>)
      %dma_wait3A_69 = arith.constant 0 : i32
      %dma_wait3A_70 = tpu.memref_slice %arg5[%run_scoped3A, %dma_wait3A_69] : memref<2x128xi32, #tpu.memory_space<vmem>> -> memref<1x128xi32, #tpu.memory_space<vmem>>
      %dma_wait3A_71 = tpu.memref_squeeze %dma_wait3A_70 : memref<1x128xi32, #tpu.memory_space<vmem>> -> memref<128xi32, #tpu.memory_space<vmem>>
      %dma_wait3A_72 = tpu.memref_slice %arg3[%add3A_4] : memref<8192xi32, #tpu.memory_space<hbm>> -> memref<128xi32, #tpu.memory_space<hbm>>
      %dma_wait3A_73 = arith.constant 0 : i32
      %dma_wait3A_74 = tpu.memref_slice %arg5[%run_scoped3A, %dma_wait3A_73] : memref<2x128xi32, #tpu.memory_space<vmem>> -> memref<1x128xi32, #tpu.memory_space<vmem>>
      %dma_wait3A_75 = tpu.memref_squeeze %dma_wait3A_74 : memref<1x128xi32, #tpu.memory_space<vmem>> -> memref<128xi32, #tpu.memory_space<vmem>>
      %dma_wait3A_76 = tpu.memref_slice %arg3[%add3A_4] : memref<8192xi32, #tpu.memory_space<hbm>> -> memref<128xi32, #tpu.memory_space<hbm>>
      tpu.wait_dma2 semaphore(%run_scoped3A_60 : memref<!tpu.dma_semaphore, #tpu.memory_space<semaphore_mem>>) src(%dma_wait3A_76 : memref<128xi32, #tpu.memory_space<hbm>>) dst(%dma_wait3A_75 : memref<128xi32, #tpu.memory_space<vmem>>)
      tpu.yield
    }) : () -> ()
    %add3A_5 = arith.constant 128 : i32
    %add3A_6 = arith.addi %mul3A_2, %add3A_5 : i32
    %run_scoped3A_7 = arith.constant 1 : i32
    "tpu.region"() ({
      %run_scoped3A_60 = tpu.sem_alloc : memref<!tpu.dma_semaphore, #tpu.memory_space<semaphore_mem>>
      %dma_start3A_61 = arith.constant 0 : i32
      %dma_start3A_62 = tpu.memref_slice %arg5[%run_scoped3A_7, %dma_start3A_61] : memref<2x128xi32, #tpu.memory_space<vmem>> -> memref<1x128xi32, #tpu.memory_space<vmem>>
      %dma_start3A_63 = tpu.memref_squeeze %dma_start3A_62 : memref<1x128xi32, #tpu.memory_space<vmem>> -> memref<128xi32, #tpu.memory_space<vmem>>
      %dma_start3A_64 = tpu.memref_slice %arg3[%add3A_6] : memref<8192xi32, #tpu.memory_space<hbm>> -> memref<128xi32, #tpu.memory_space<hbm>>
      %dma_start3A_65 = arith.constant 0 : i32
      %dma_start3A_66 = tpu.memref_slice %arg5[%run_scoped3A_7, %dma_start3A_65] : memref<2x128xi32, #tpu.memory_space<vmem>> -> memref<1x128xi32, #tpu.memory_space<vmem>>
      %dma_start3A_67 = tpu.memref_squeeze %dma_start3A_66 : memref<1x128xi32, #tpu.memory_space<vmem>> -> memref<128xi32, #tpu.memory_space<vmem>>
      %dma_start3A_68 = tpu.memref_slice %arg3[%add3A_6] : memref<8192xi32, #tpu.memory_space<hbm>> -> memref<128xi32, #tpu.memory_space<hbm>>
      tpu.enqueue_dma source(%dma_start3A_68 : memref<128xi32, #tpu.memory_space<hbm>>) target(%dma_start3A_67 : memref<128xi32, #tpu.memory_space<vmem>>) target_semaphore(%run_scoped3A_60 : memref<!tpu.dma_semaphore, #tpu.memory_space<semaphore_mem>>)
      %dma_wait3A_69 = arith.constant 0 : i32
      %dma_wait3A_70 = tpu.memref_slice %arg5[%run_scoped3A_7, %dma_wait3A_69] : memref<2x128xi32, #tpu.memory_space<vmem>> -> memref<1x128xi32, #tpu.memory_space<vmem>>
      %dma_wait3A_71 = tpu.memref_squeeze %dma_wait3A_70 : memref<1x128xi32, #tpu.memory_space<vmem>> -> memref<128xi32, #tpu.memory_space<vmem>>
      %dma_wait3A_72 = tpu.memref_slice %arg3[%add3A_6] : memref<8192xi32, #tpu.memory_space<hbm>> -> memref<128xi32, #tpu.memory_space<hbm>>
      %dma_wait3A_73 = arith.constant 0 : i32
      %dma_wait3A_74 = tpu.memref_slice %arg5[%run_scoped3A_7, %dma_wait3A_73] : memref<2x128xi32, #tpu.memory_space<vmem>> -> memref<1x128xi32, #tpu.memory_space<vmem>>
      %dma_wait3A_75 = tpu.memref_squeeze %dma_wait3A_74 : memref<1x128xi32, #tpu.memory_space<vmem>> -> memref<128xi32, #tpu.memory_space<vmem>>
      %dma_wait3A_76 = tpu.memref_slice %arg3[%add3A_6] : memref<8192xi32, #tpu.memory_space<hbm>> -> memref<128xi32, #tpu.memory_space<hbm>>
      tpu.wait_dma2 semaphore(%run_scoped3A_60 : memref<!tpu.dma_semaphore, #tpu.memory_space<semaphore_mem>>) src(%dma_wait3A_76 : memref<128xi32, #tpu.memory_space<hbm>>) dst(%dma_wait3A_75 : memref<128xi32, #tpu.memory_space<vmem>>)
      tpu.yield
    }) : () -> ()
    %dma_start3A = arith.constant 0 : i32
    %dma_start3A_8 = arith.constant 0 : i32
    %dma_start3A_9 = arith.constant 0 : i32
    %dma_start3A_10 = arith.constant 0 : i32
    %dma_start3A_11 = tpu.memref_slice %arg6[%dma_start3A_8, %dma_start3A_9, %dma_start3A_10] : memref<2x128x128xf32, #tpu.memory_space<vmem>> -> memref<1x128x128xf32, #tpu.memory_space<vmem>>
    %dma_start3A_12 = tpu.memref_squeeze %dma_start3A_11 : memref<1x128x128xf32, #tpu.memory_space<vmem>> -> memref<128x128xf32, #tpu.memory_space<vmem>>
    %dma_start3A_13 = arith.constant 0 : i32
    %dma_start3A_14 = tpu.memref_slice %arg5[%dma_start3A, %dma_start3A_13] : memref<2x128xi32, #tpu.memory_space<vmem>> -> memref<1x128xi32, #tpu.memory_space<vmem>>
    %dma_start3A_15 = tpu.memref_squeeze %dma_start3A_14 : memref<1x128xi32, #tpu.memory_space<vmem>> -> memref<128xi32, #tpu.memory_space<vmem>>
    %dma_start3A_16 = arith.constant 0 : i32
    %dma_start3A_17 = arith.constant 0 : i32
    %dma_start3A_18 = tpu.memref_slice %arg2[%dma_start3A_16, %dma_start3A_17] : memref<8192x128xf32, #tpu.memory_space<hbm>> -> memref<8192x128xf32, #tpu.memory_space<hbm>>
    tpu.enqueue_indirect_dma source(%dma_start3A_18 : memref<8192x128xf32, #tpu.memory_space<hbm>>) target(%dma_start3A_12 : memref<128x128xf32, #tpu.memory_space<vmem>>) offsets(%dma_start3A_15 : memref<128xi32, #tpu.memory_space<vmem>>) semaphore(%arg7 : memref<!tpu.dma_semaphore, #tpu.memory_space<semaphore_mem>>)
    %dma_start3A_19 = arith.constant 1 : i32
    %dma_start3A_20 = arith.constant 1 : i32
    %dma_start3A_21 = arith.constant 0 : i32
    %dma_start3A_22 = arith.constant 0 : i32
    %dma_start3A_23 = tpu.memref_slice %arg6[%dma_start3A_20, %dma_start3A_21, %dma_start3A_22] : memref<2x128x128xf32, #tpu.memory_space<vmem>> -> memref<1x128x128xf32, #tpu.memory_space<vmem>>
    %dma_start3A_24 = tpu.memref_squeeze %dma_start3A_23 : memref<1x128x128xf32, #tpu.memory_space<vmem>> -> memref<128x128xf32, #tpu.memory_space<vmem>>
    %dma_start3A_25 = arith.constant 0 : i32
    %dma_start3A_26 = tpu.memref_slice %arg5[%dma_start3A_19, %dma_start3A_25] : memref<2x128xi32, #tpu.memory_space<vmem>> -> memref<1x128xi32, #tpu.memory_space<vmem>>
    %dma_start3A_27 = tpu.memref_squeeze %dma_start3A_26 : memref<1x128xi32, #tpu.memory_space<vmem>> -> memref<128xi32, #tpu.memory_space<vmem>>
    %dma_start3A_28 = arith.constant 0 : i32
    %dma_start3A_29 = arith.constant 0 : i32
    %dma_start3A_30 = tpu.memref_slice %arg2[%dma_start3A_28, %dma_start3A_29] : memref<8192x128xf32, #tpu.memory_space<hbm>> -> memref<8192x128xf32, #tpu.memory_space<hbm>>
    tpu.enqueue_indirect_dma source(%dma_start3A_30 : memref<8192x128xf32, #tpu.memory_space<hbm>>) target(%dma_start3A_24 : memref<128x128xf32, #tpu.memory_space<vmem>>) offsets(%dma_start3A_27 : memref<128xi32, #tpu.memory_space<vmem>>) semaphore(%arg7 : memref<!tpu.dma_semaphore, #tpu.memory_space<semaphore_mem>>)
    %dma_wait3A = arith.constant 0 : i32
    %dma_wait3A_31 = arith.constant 0 : i32
    %dma_wait3A_32 = arith.constant 0 : i32
    %dma_wait3A_33 = arith.constant 0 : i32
    %dma_wait3A_34 = tpu.memref_slice %arg6[%dma_wait3A_31, %dma_wait3A_32, %dma_wait3A_33] : memref<2x128x128xf32, #tpu.memory_space<vmem>> -> memref<1x128x128xf32, #tpu.memory_space<vmem>>
    %dma_wait3A_35 = tpu.memref_squeeze %dma_wait3A_34 : memref<1x128x128xf32, #tpu.memory_space<vmem>> -> memref<128x128xf32, #tpu.memory_space<vmem>>
    %dma_wait3A_36 = arith.constant 0 : i32
    %dma_wait3A_37 = tpu.memref_slice %arg5[%dma_wait3A, %dma_wait3A_36] : memref<2x128xi32, #tpu.memory_space<vmem>> -> memref<1x128xi32, #tpu.memory_space<vmem>>
    %dma_wait3A_38 = tpu.memref_squeeze %dma_wait3A_37 : memref<1x128xi32, #tpu.memory_space<vmem>> -> memref<128xi32, #tpu.memory_space<vmem>>
    %dma_wait3A_39 = arith.constant 0 : i32
    %dma_wait3A_40 = arith.constant 0 : i32
    %dma_wait3A_41 = tpu.memref_slice %arg2[%dma_wait3A_39, %dma_wait3A_40] : memref<8192x128xf32, #tpu.memory_space<hbm>> -> memref<8192x128xf32, #tpu.memory_space<hbm>>
    tpu.wait_indirect_dma semaphore(%arg7 : memref<!tpu.dma_semaphore, #tpu.memory_space<semaphore_mem>>) src(%dma_wait3A_41 : memref<8192x128xf32, #tpu.memory_space<hbm>>) dst(%dma_wait3A_35 : memref<128x128xf32, #tpu.memory_space<vmem>>)
    %dma_wait3A_42 = arith.constant 1 : i32
    %dma_wait3A_43 = arith.constant 1 : i32
    %dma_wait3A_44 = arith.constant 0 : i32
    %dma_wait3A_45 = arith.constant 0 : i32
    %dma_wait3A_46 = tpu.memref_slice %arg6[%dma_wait3A_43, %dma_wait3A_44, %dma_wait3A_45] : memref<2x128x128xf32, #tpu.memory_space<vmem>> -> memref<1x128x128xf32, #tpu.memory_space<vmem>>
    %dma_wait3A_47 = tpu.memref_squeeze %dma_wait3A_46 : memref<1x128x128xf32, #tpu.memory_space<vmem>> -> memref<128x128xf32, #tpu.memory_space<vmem>>
    %dma_wait3A_48 = arith.constant 0 : i32
    %dma_wait3A_49 = tpu.memref_slice %arg5[%dma_wait3A_42, %dma_wait3A_48] : memref<2x128xi32, #tpu.memory_space<vmem>> -> memref<1x128xi32, #tpu.memory_space<vmem>>
    %dma_wait3A_50 = tpu.memref_squeeze %dma_wait3A_49 : memref<1x128xi32, #tpu.memory_space<vmem>> -> memref<128xi32, #tpu.memory_space<vmem>>
    %dma_wait3A_51 = arith.constant 0 : i32
    %dma_wait3A_52 = arith.constant 0 : i32
    %dma_wait3A_53 = tpu.memref_slice %arg2[%dma_wait3A_51, %dma_wait3A_52] : memref<8192x128xf32, #tpu.memory_space<hbm>> -> memref<8192x128xf32, #tpu.memory_space<hbm>>
    tpu.wait_indirect_dma semaphore(%arg7 : memref<!tpu.dma_semaphore, #tpu.memory_space<semaphore_mem>>) src(%dma_wait3A_53 : memref<8192x128xf32, #tpu.memory_space<hbm>>) dst(%dma_wait3A_47 : memref<128x128xf32, #tpu.memory_space<vmem>>)
    %add3A_54 = arith.constant 0 : i32
    %add3A_55 = arith.addi %mul3A_2, %add3A_54 : i32
    %run_scoped3A_56 = arith.constant 0 : i32
    "tpu.region"() ({
      %run_scoped3A_60 = tpu.sem_alloc : memref<!tpu.dma_semaphore, #tpu.memory_space<semaphore_mem>>
      %dma_start3A_61 = arith.constant 0 : i32
      %dma_start3A_62 = arith.constant 0 : i32
      %dma_start3A_63 = tpu.memref_slice %arg6[%run_scoped3A_56, %dma_start3A_61, %dma_start3A_62] : memref<2x128x128xf32, #tpu.memory_space<vmem>> -> memref<1x128x128xf32, #tpu.memory_space<vmem>>
      %dma_start3A_64 = tpu.memref_squeeze %dma_start3A_63 : memref<1x128x128xf32, #tpu.memory_space<vmem>> -> memref<128x128xf32, #tpu.memory_space<vmem>>
      %dma_start3A_65 = arith.constant 0 : i32
      %dma_start3A_66 = tpu.memref_slice %arg4[%add3A_55, %dma_start3A_65] : memref<8192x128xf32, #tpu.memory_space<hbm>> -> memref<128x128xf32, #tpu.memory_space<hbm>>
      %dma_start3A_67 = arith.constant 0 : i32
      %dma_start3A_68 = tpu.memref_slice %arg4[%add3A_55, %dma_start3A_67] : memref<8192x128xf32, #tpu.memory_space<hbm>> -> memref<128x128xf32, #tpu.memory_space<hbm>>
      %dma_start3A_69 = arith.constant 0 : i32
      %dma_start3A_70 = arith.constant 0 : i32
      %dma_start3A_71 = tpu.memref_slice %arg6[%run_scoped3A_56, %dma_start3A_69, %dma_start3A_70] : memref<2x128x128xf32, #tpu.memory_space<vmem>> -> memref<1x128x128xf32, #tpu.memory_space<vmem>>
      %dma_start3A_72 = tpu.memref_squeeze %dma_start3A_71 : memref<1x128x128xf32, #tpu.memory_space<vmem>> -> memref<128x128xf32, #tpu.memory_space<vmem>>
      tpu.enqueue_dma source(%dma_start3A_72 : memref<128x128xf32, #tpu.memory_space<vmem>>) target(%dma_start3A_68 : memref<128x128xf32, #tpu.memory_space<hbm>>) target_semaphore(%run_scoped3A_60 : memref<!tpu.dma_semaphore, #tpu.memory_space<semaphore_mem>>)
      %dma_wait3A_73 = arith.constant 0 : i32
      %dma_wait3A_74 = arith.constant 0 : i32
      %dma_wait3A_75 = tpu.memref_slice %arg6[%run_scoped3A_56, %dma_wait3A_73, %dma_wait3A_74] : memref<2x128x128xf32, #tpu.memory_space<vmem>> -> memref<1x128x128xf32, #tpu.memory_space<vmem>>
      %dma_wait3A_76 = tpu.memref_squeeze %dma_wait3A_75 : memref<1x128x128xf32, #tpu.memory_space<vmem>> -> memref<128x128xf32, #tpu.memory_space<vmem>>
      %dma_wait3A_77 = arith.constant 0 : i32
      %dma_wait3A_78 = tpu.memref_slice %arg4[%add3A_55, %dma_wait3A_77] : memref<8192x128xf32, #tpu.memory_space<hbm>> -> memref<128x128xf32, #tpu.memory_space<hbm>>
      %dma_wait3A_79 = arith.constant 0 : i32
      %dma_wait3A_80 = tpu.memref_slice %arg4[%add3A_55, %dma_wait3A_79] : memref<8192x128xf32, #tpu.memory_space<hbm>> -> memref<128x128xf32, #tpu.memory_space<hbm>>
      %dma_wait3A_81 = arith.constant 0 : i32
      %dma_wait3A_82 = arith.constant 0 : i32
      %dma_wait3A_83 = tpu.memref_slice %arg6[%run_scoped3A_56, %dma_wait3A_81, %dma_wait3A_82] : memref<2x128x128xf32, #tpu.memory_space<vmem>> -> memref<1x128x128xf32, #tpu.memory_space<vmem>>
      %dma_wait3A_84 = tpu.memref_squeeze %dma_wait3A_83 : memref<1x128x128xf32, #tpu.memory_space<vmem>> -> memref<128x128xf32, #tpu.memory_space<vmem>>
      tpu.wait_dma2 semaphore(%run_scoped3A_60 : memref<!tpu.dma_semaphore, #tpu.memory_space<semaphore_mem>>) src(%dma_wait3A_84 : memref<128x128xf32, #tpu.memory_space<vmem>>) dst(%dma_wait3A_80 : memref<128x128xf32, #tpu.memory_space<hbm>>)
      tpu.yield
    }) : () -> ()
    %add3A_57 = arith.constant 128 : i32
    %add3A_58 = arith.addi %mul3A_2, %add3A_57 : i32
    %run_scoped3A_59 = arith.constant 1 : i32
    "tpu.region"() ({
      %run_scoped3A_60 = tpu.sem_alloc : memref<!tpu.dma_semaphore, #tpu.memory_space<semaphore_mem>>
      %dma_start3A_61 = arith.constant 0 : i32
      %dma_start3A_62 = arith.constant 0 : i32
      %dma_start3A_63 = tpu.memref_slice %arg6[%run_scoped3A_59, %dma_start3A_61, %dma_start3A_62] : memref<2x128x128xf32, #tpu.memory_space<vmem>> -> memref<1x128x128xf32, #tpu.memory_space<vmem>>
      %dma_start3A_64 = tpu.memref_squeeze %dma_start3A_63 : memref<1x128x128xf32, #tpu.memory_space<vmem>> -> memref<128x128xf32, #tpu.memory_space<vmem>>
      %dma_start3A_65 = arith.constant 0 : i32
      %dma_start3A_66 = tpu.memref_slice %arg4[%add3A_58, %dma_start3A_65] : memref<8192x128xf32, #tpu.memory_space<hbm>> -> memref<128x128xf32, #tpu.memory_space<hbm>>
      %dma_start3A_67 = arith.constant 0 : i32
      %dma_start3A_68 = tpu.memref_slice %arg4[%add3A_58, %dma_start3A_67] : memref<8192x128xf32, #tpu.memory_space<hbm>> -> memref<128x128xf32, #tpu.memory_space<hbm>>
      %dma_start3A_69 = arith.constant 0 : i32
      %dma_start3A_70 = arith.constant 0 : i32
      %dma_start3A_71 = tpu.memref_slice %arg6[%run_scoped3A_59, %dma_start3A_69, %dma_start3A_70] : memref<2x128x128xf32, #tpu.memory_space<vmem>> -> memref<1x128x128xf32, #tpu.memory_space<vmem>>
      %dma_start3A_72 = tpu.memref_squeeze %dma_start3A_71 : memref<1x128x128xf32, #tpu.memory_space<vmem>> -> memref<128x128xf32, #tpu.memory_space<vmem>>
      tpu.enqueue_dma source(%dma_start3A_72 : memref<128x128xf32, #tpu.memory_space<vmem>>) target(%dma_start3A_68 : memref<128x128xf32, #tpu.memory_space<hbm>>) target_semaphore(%run_scoped3A_60 : memref<!tpu.dma_semaphore, #tpu.memory_space<semaphore_mem>>)
      %dma_wait3A_73 = arith.constant 0 : i32
      %dma_wait3A_74 = arith.constant 0 : i32
      %dma_wait3A_75 = tpu.memref_slice %arg6[%run_scoped3A_59, %dma_wait3A_73, %dma_wait3A_74] : memref<2x128x128xf32, #tpu.memory_space<vmem>> -> memref<1x128x128xf32, #tpu.memory_space<vmem>>
      %dma_wait3A_76 = tpu.memref_squeeze %dma_wait3A_75 : memref<1x128x128xf32, #tpu.memory_space<vmem>> -> memref<128x128xf32, #tpu.memory_space<vmem>>
      %dma_wait3A_77 = arith.constant 0 : i32
      %dma_wait3A_78 = tpu.memref_slice %arg4[%add3A_58, %dma_wait3A_77] : memref<8192x128xf32, #tpu.memory_space<hbm>> -> memref<128x128xf32, #tpu.memory_space<hbm>>
      %dma_wait3A_79 = arith.constant 0 : i32
      %dma_wait3A_80 = tpu.memref_slice %arg4[%add3A_58, %dma_wait3A_79] : memref<8192x128xf32, #tpu.memory_space<hbm>> -> memref<128x128xf32, #tpu.memory_space<hbm>>
      %dma_wait3A_81 = arith.constant 0 : i32
      %dma_wait3A_82 = arith.constant 0 : i32
      %dma_wait3A_83 = tpu.memref_slice %arg6[%run_scoped3A_59, %dma_wait3A_81, %dma_wait3A_82] : memref<2x128x128xf32, #tpu.memory_space<vmem>> -> memref<1x128x128xf32, #tpu.memory_space<vmem>>
      %dma_wait3A_84 = tpu.memref_squeeze %dma_wait3A_83 : memref<1x128x128xf32, #tpu.memory_space<vmem>> -> memref<128x128xf32, #tpu.memory_space<vmem>>
      tpu.wait_dma2 semaphore(%run_scoped3A_60 : memref<!tpu.dma_semaphore, #tpu.memory_space<semaphore_mem>>) src(%dma_wait3A_84 : memref<128x128xf32, #tpu.memory_space<vmem>>) dst(%dma_wait3A_80 : memref<128x128xf32, #tpu.memory_space<hbm>>)
      tpu.yield
    }) : () -> ()
    return
  }
}

module attributes {stable_mosaic.version = 14 : i64} {
  func.func @_argmin_body(%arg0: i32, %arg1: i32, %arg2: memref<512x64xf32, #tpu.memory_space<vmem>>, %arg3: memref<2048x64xf32, #tpu.memory_space<vmem>>, %arg4: memref<512xi32, #tpu.memory_space<vmem>>, %arg5: memref<1xf32, #tpu.memory_space<smem>>, %arg6: memref<512x2048xf32, #tpu.memory_space<vmem>>, %arg7: memref<512x2048xi32, #tpu.memory_space<vmem>>, %arg8: memref<1xf32, #tpu.memory_space<smem>>) attributes {dimension_semantics = [#tpu.dimension_semantics<arbitrary>, #tpu.dimension_semantics<arbitrary>], iteration_bounds = array<i64: 16, 4>, scalar_prefetch = 0 : i64, scratch_operands = 3 : i64, tpu.core_type = #tpu.core_type<tc>, window_params = [{transform_indices = @transform_0, window_bounds = array<i64: 512, 64>}, {transform_indices = @transform_1, window_bounds = array<i64: 2048, 64>}, {transform_indices = @transform_2, window_bounds = array<i64: 512>}, {transform_indices = @transform_3, window_bounds = array<i64: 1>}]} {
    %get3A = arith.constant 0 : index
    %get3A_0 = arith.constant 0 : index
    %get3A_1 = vector.load %arg2[%get3A, %get3A_0] : memref<512x64xf32, #tpu.memory_space<vmem>>, vector<512x64xf32>
    %convert_element_type3A = arith.truncf %get3A_1 : vector<512x64xf32> to vector<512x64xbf16>
    %get3A_2 = arith.constant 0 : index
    %get3A_3 = arith.constant 0 : index
    %get3A_4 = vector.load %arg3[%get3A_2, %get3A_3] : memref<2048x64xf32, #tpu.memory_space<vmem>>, vector<2048x64xf32>
    %convert_element_type3A_5 = arith.truncf %get3A_4 : vector<2048x64xf32> to vector<2048x64xbf16>
    %convert_element_type3A_6 = arith.extf %convert_element_type3A : vector<512x64xbf16> to vector<512x64xf32>
    %convert_element_type3A_7 = arith.extf %convert_element_type3A_5 : vector<2048x64xbf16> to vector<2048x64xf32>
    %dot_general3A = arith.constant dense<0.000000e+00> : vector<512x2048xf32>
    %dot_general3A_8 = tpu.matmul %convert_element_type3A, %convert_element_type3A_5, %dot_general3A {dimension_numbers = #tpu.dot_dimension_numbers<[1], [1], [0], [0], [0, 0, 1, 0], [], []>, transpose_lhs_hint = false} : vector<512x64xbf16>, vector<2048x64xbf16>, vector<512x2048xf32> -> vector<512x2048xf32>
    %mul3A = arith.mulf %convert_element_type3A_7, %convert_element_type3A_7 : vector<2048x64xf32>
    %reduce_sum3A = arith.constant dense<0.000000e+00> : vector<2048xf32>
    %reduce_sum3A_9 = vector.multi_reduction <add>, %mul3A, %reduce_sum3A [1] : vector<2048x64xf32> to vector<2048xf32>
    %broadcast_in_dim3A = vector.shape_cast %reduce_sum3A_9 : vector<2048xf32> to vector<1x2048xf32>
    %mul3A_10 = arith.mulf %convert_element_type3A_6, %convert_element_type3A_6 : vector<512x64xf32>
    %reduce_sum3A_11 = arith.constant dense<0.000000e+00> : vector<512xf32>
    %reduce_sum3A_12 = vector.multi_reduction <add>, %mul3A_10, %reduce_sum3A_11 [1] : vector<512x64xf32> to vector<512xf32>
    %broadcast_in_dim3A_13 = vector.shape_cast %reduce_sum3A_12 : vector<512xf32> to vector<512x1xf32>
    %add3A = vector.broadcast %broadcast_in_dim3A_13 : vector<512x1xf32> to vector<512x2048xf32>
    %add3A_14 = vector.broadcast %broadcast_in_dim3A : vector<1x2048xf32> to vector<512x2048xf32>
    %add3A_15 = arith.addf %add3A, %add3A_14 : vector<512x2048xf32>
    %mul3A_16 = arith.constant 2.000000e+00 : f32
    %mul3A_17 = vector.broadcast %mul3A_16 : f32 to vector<512x2048xf32>
    %mul3A_18 = arith.mulf %mul3A_17, %dot_general3A_8 : vector<512x2048xf32>
    %sub3A = arith.subf %add3A_15, %mul3A_18 : vector<512x2048xf32>
    %iota3A = tpu.iota {dimensions = array<i32: 1>} : vector<512x2048xi32>
    %mul3A_19 = arith.constant 2048 : i32
    %mul3A_20 = arith.muli %arg1, %mul3A_19 : i32
    %add3A_21 = vector.broadcast %mul3A_20 : i32 to vector<512x2048xi32>
    %add3A_22 = arith.addi %iota3A, %add3A_21 : vector<512x2048xi32>
    %eq3A = arith.constant 0 : i32
    %eq3A_23 = arith.cmpi eq, %arg1, %eq3A : i32
    %convert_element_type3A_24 = arith.extui %eq3A_23 : i1 to i32
    %cond3A = arith.constant 0 : i32
    %cond3A_25 = arith.cmpi ne, %convert_element_type3A_24, %cond3A : i32
    scf.if %cond3A_25 {
      %swap3A = arith.constant 0 : index
      %swap3A_35 = arith.constant 0 : index
      %swap3A_36 = vector.load %arg6[%swap3A, %swap3A_35] : memref<512x2048xf32, #tpu.memory_space<vmem>>, vector<512x2048xf32>
      tpu.vector_store %arg6[%swap3A, %swap3A_35], %sub3A {strides = array<i32>} : memref<512x2048xf32, #tpu.memory_space<vmem>>, vector<512x2048xf32>,
      %swap3A_37 = arith.constant 0 : index
      %swap3A_38 = arith.constant 0 : index
      %swap3A_39 = vector.load %arg7[%swap3A_37, %swap3A_38] : memref<512x2048xi32, #tpu.memory_space<vmem>>, vector<512x2048xi32>
      tpu.vector_store %arg7[%swap3A_37, %swap3A_38], %add3A_22 {strides = array<i32>} : memref<512x2048xi32, #tpu.memory_space<vmem>>, vector<512x2048xi32>,
    } else {
    }
    %gt3A = arith.constant 0 : i32
    %gt3A_26 = arith.cmpi sgt, %arg1, %gt3A : i32
    %convert_element_type3A_27 = arith.extui %gt3A_26 : i1 to i32
    %cond3A_28 = arith.constant 0 : i32
    %cond3A_29 = arith.cmpi ne, %convert_element_type3A_27, %cond3A_28 : i32
    scf.if %cond3A_29 {
      %get3A_35 = arith.constant 0 : index
      %get3A_36 = arith.constant 0 : index
      %get3A_37 = vector.load %arg6[%get3A_35, %get3A_36] : memref<512x2048xf32, #tpu.memory_space<vmem>>, vector<512x2048xf32>
      %lt3A = arith.cmpf olt, %sub3A, %get3A_37 : vector<512x2048xf32>
      %select_n3A = arith.select %lt3A, %sub3A, %get3A_37 : vector<512x2048xi1>, vector<512x2048xf32>
      %swap3A = arith.constant 0 : index
      %swap3A_38 = arith.constant 0 : index
      %swap3A_39 = vector.load %arg6[%swap3A, %swap3A_38] : memref<512x2048xf32, #tpu.memory_space<vmem>>, vector<512x2048xf32>
      tpu.vector_store %arg6[%swap3A, %swap3A_38], %select_n3A {strides = array<i32>} : memref<512x2048xf32, #tpu.memory_space<vmem>>, vector<512x2048xf32>,
      %get3A_40 = arith.constant 0 : index
      %get3A_41 = arith.constant 0 : index
      %get3A_42 = vector.load %arg7[%get3A_40, %get3A_41] : memref<512x2048xi32, #tpu.memory_space<vmem>>, vector<512x2048xi32>
      %select_n3A_43 = arith.select %lt3A, %add3A_22, %get3A_42 : vector<512x2048xi1>, vector<512x2048xi32>
      %swap3A_44 = arith.constant 0 : index
      %swap3A_45 = arith.constant 0 : index
      %swap3A_46 = vector.load %arg7[%swap3A_44, %swap3A_45] : memref<512x2048xi32, #tpu.memory_space<vmem>>, vector<512x2048xi32>
      tpu.vector_store %arg7[%swap3A_44, %swap3A_45], %select_n3A_43 {strides = array<i32>} : memref<512x2048xi32, #tpu.memory_space<vmem>>, vector<512x2048xi32>,
    } else {
    }
    %eq3A_30 = arith.constant 3 : i32
    %eq3A_31 = arith.cmpi eq, %arg1, %eq3A_30 : i32
    %convert_element_type3A_32 = arith.extui %eq3A_31 : i1 to i32
    %cond3A_33 = arith.constant 0 : i32
    %cond3A_34 = arith.cmpi ne, %convert_element_type3A_32, %cond3A_33 : i32
    scf.if %cond3A_34 {
      %get3A_35 = arith.constant 0 : index
      %get3A_36 = arith.constant 0 : index
      %get3A_37 = vector.load %arg6[%get3A_35, %get3A_36] : memref<512x2048xf32, #tpu.memory_space<vmem>>, vector<512x2048xf32>
      %reduce_min3A = arith.constant dense<0x7F800000> : vector<512xf32>
      %reduce_min3A_38 = vector.multi_reduction <minimumf>, %get3A_37, %reduce_min3A [1] : vector<512x2048xf32> to vector<512xf32>
      %broadcast_in_dim3A_39 = vector.shape_cast %reduce_min3A_38 : vector<512xf32> to vector<512x1xf32>
      %eq3A_40 = vector.broadcast %broadcast_in_dim3A_39 : vector<512x1xf32> to vector<512x2048xf32>
      %eq3A_41 = arith.cmpf oeq, %get3A_37, %eq3A_40 : vector<512x2048xf32>
      %get3A_42 = arith.constant 0 : index
      %get3A_43 = arith.constant 0 : index
      %get3A_44 = vector.load %arg7[%get3A_42, %get3A_43] : memref<512x2048xi32, #tpu.memory_space<vmem>>, vector<512x2048xi32>
      %jit3A = arith.constant 2147483647 : i32
      %broadcast_in_dim3A_45 = vector.broadcast %jit3A : i32 to vector<512x2048xi32>
      %select_n3A = arith.select %eq3A_41, %get3A_44, %broadcast_in_dim3A_45 : vector<512x2048xi1>, vector<512x2048xi32>
      %reduce_min3A_46 = arith.constant dense<2147483647> : vector<512xi32>
      %reduce_min3A_47 = vector.multi_reduction <minsi>, %select_n3A, %reduce_min3A_46 [1] : vector<512x2048xi32> to vector<512xi32>
      %swap3A = arith.constant 0 : index
      %swap3A_48 = vector.load %arg4[%swap3A] : memref<512xi32, #tpu.memory_space<vmem>>, vector<512xi32>
      tpu.vector_store %arg4[%swap3A], %reduce_min3A_47 {strides = array<i32>} : memref<512xi32, #tpu.memory_space<vmem>>, vector<512xi32>,
      %reduce_sum3A_49 = vector.shape_cast %broadcast_in_dim3A_39 : vector<512x1xf32> to vector<1x512x1xf32>
      %reduce_sum3A_50 = arith.constant dense<0.000000e+00> : vector<1xf32>
      %reduce_sum3A_51 = vector.multi_reduction <add>, %reduce_sum3A_49, %reduce_sum3A_50 [1, 2] : vector<1x512x1xf32> to vector<1xf32>
      %reduce_sum3A_52 = vector.shape_cast %reduce_sum3A_51 : vector<1xf32> to vector<1x1x1xf32>
      %reduce_sum3A_53 = vector.extract %reduce_sum3A_52[0, 0, 0] : f32 from vector<1x1x1xf32>
      %eq3A_54 = arith.constant 0 : i32
      %eq3A_55 = arith.cmpi eq, %arg0, %eq3A_54 : i32
      %convert_element_type3A_56 = arith.extui %eq3A_55 : i1 to i32
      %cond3A_57 = arith.constant 0 : i32
      %cond3A_58 = arith.cmpi ne, %convert_element_type3A_56, %cond3A_57 : i32
      scf.if %cond3A_58 {
        %swap3A_69 = arith.constant 0 : index
        %swap3A_70 = memref.load %arg8[%swap3A_69] : memref<1xf32, #tpu.memory_space<smem>>
        memref.store %reduce_sum3A_53, %arg8[%swap3A_69] : memref<1xf32, #tpu.memory_space<smem>>
      } else {
      }
      %gt3A_59 = arith.constant 0 : i32
      %gt3A_60 = arith.cmpi sgt, %arg0, %gt3A_59 : i32
      %convert_element_type3A_61 = arith.extui %gt3A_60 : i1 to i32
      %cond3A_62 = arith.constant 0 : i32
      %cond3A_63 = arith.cmpi ne, %convert_element_type3A_61, %cond3A_62 : i32
      scf.if %cond3A_63 {
        %get3A_69 = arith.constant 0 : index
        %get3A_70 = memref.load %arg8[%get3A_69] : memref<1xf32, #tpu.memory_space<smem>>
        %add3A_71 = arith.addf %get3A_70, %reduce_sum3A_53 : f32
        %swap3A_72 = arith.constant 0 : index
        %swap3A_73 = memref.load %arg8[%swap3A_72] : memref<1xf32, #tpu.memory_space<smem>>
        memref.store %add3A_71, %arg8[%swap3A_72] : memref<1xf32, #tpu.memory_space<smem>>
      } else {
      }
      %eq3A_64 = arith.constant 15 : i32
      %eq3A_65 = arith.cmpi eq, %arg0, %eq3A_64 : i32
      %convert_element_type3A_66 = arith.extui %eq3A_65 : i1 to i32
      %cond3A_67 = arith.constant 0 : i32
      %cond3A_68 = arith.cmpi ne, %convert_element_type3A_66, %cond3A_67 : i32
      scf.if %cond3A_68 {
        %get3A_69 = arith.constant 0 : index
        %get3A_70 = memref.load %arg8[%get3A_69] : memref<1xf32, #tpu.memory_space<smem>>
        %mul3A_71 = arith.constant 2.38418579E-6 : f32
        %mul3A_72 = arith.mulf %get3A_70, %mul3A_71 : f32
        %swap3A_73 = arith.constant 0 : index
        %swap3A_74 = memref.load %arg5[%swap3A_73] : memref<1xf32, #tpu.memory_space<smem>>
        memref.store %mul3A_72, %arg5[%swap3A_73] : memref<1xf32, #tpu.memory_space<smem>>
      } else {
      }
    } else {
    }
    return
  }
  func.func @transform_0(%arg0: i32, %arg1: i32) -> (i32, i32) {
    %c0_i32 = arith.constant 0 : i32
    %c0_i32_0 = arith.constant 0 : i32
    return %arg0, %c0_i32 : i32, i32
  }
  func.func @transform_1(%arg0: i32, %arg1: i32) -> (i32, i32) {
    %c0_i32 = arith.constant 0 : i32
    %c0_i32_0 = arith.constant 0 : i32
    return %arg1, %c0_i32 : i32, i32
  }
  func.func @transform_2(%arg0: i32, %arg1: i32) -> i32 {
    %c0_i32 = arith.constant 0 : i32
    return %arg0 : i32
  }
  func.func @transform_3(%arg0: i32, %arg1: i32) -> i32 {
    %c0_i32 = arith.constant 0 : i32
    %c0_i32_0 = arith.constant 0 : i32
    return %c0_i32 : i32
  }
}

</mosaic_0001>

<sc_bundles>
// kernel: kernel.4.cloned.1.call-start
scs
__scs_entry_jumppad:
0x0: {  	(pc) =	sbr.rel $0x88, $3  }
0x1: {  	(tag) =	ssettag $0x0;
	lr =	simm.s32 $0x1  }
0x2: {  	[smem:$0x3F9F] =	sst lr;
	_ =	strace $0xD0000000  }
0x3: {  	_ = 	snop  }
0x4: {  	_ = 	snop  }
0x5: {  	_ = 	snop  }
0x6: {  	_ = 	snop  }
0x7: {  	_ = 	snop  }
__scs_overlays_trampoline_lowered:
0x8: {  	[smem:$0x3FAE] =	sst s0  }
0x9: {  	[smem:$0x3FAF] =	sst s1  }
0xa: {  	[smem:$0x3FB0] =	sst s2  }
0xb: {  	[smem:$0x3FB1] =	sst s3  }
0xc: {  	[smem:$0x3FB2] =	sst s4  }
0xd: {  	[smem:$0x3FB3] =	sst s5  }
0xe: {  	[smem:$0x3FB4] =	sst s6  }
0xf: {  	[smem:$0x3FB5] =	sst s7  }
0x10: {  	[smem:$0x3FB6] =	sst s8  }
0x11: {  	[smem:$0x3FB7] =	sst s9;
	s0 =	simm.s32 @!p0 $0x0  }
0x12: {  	s1 =	sld [smem:$0x3F9D];
	s0 =	simm.s32 @p0 $0x1  }
0x13: {  	[smem:$0x3FB8] =	sst s0;
	s0 =	simm.s32 @!p1 $0x0  }
0x14: {  	s2 =	sld [smem:$0x3F9C];
	s0 =	simm.s32 @p1 $0x1  }
0x15: {  	[smem:$0x3FB9] =	sst s0;
	s0 =	simm.s32 @!p2 $0x0  }
0x16: {  	s3 =	sld [smem:$0x3FDB];
	s0 =	simm.s32 @p2 $0x1  }
0x17: {  	s4 =	simm.s32 $0x1BF5;
	[smem:$0x3FBB] =	sst s0  }
0x18: {  	s0 =	sld [smem:$0x3F9E];
	_ =	swait.ge [sflag:s4], $0x0  }
0x19: {  	s7 =	sld [smem:$0x3F9F]  }
0x1a: {  	s8 =	sadd.s32 $0xFFFFE003, lr  }
0x1b: {  	s9 =	sadd.s32 $0xFFFFFEF7, lr;
	s5 =	simm.s32 $0xFFFFFFFF;
	p2 =	slt.u32 s8, $0xFFFFF086  }
0x1c: {  	p1 =	slt.u32 s9, $0xF7A;
	s5 =	simm.s32 @!p2 $0x0  }
0x1d: {  	s5 =	simm.s32 @p1 $0x1;
	p0 =	seq.s32 s7, s2  }
0x1e: {  	s7 =	smul.u32 @!p0 $0xF7A, s2;
	p2 =	seq.s32 @!p0 s5, $0x0  }
0x1f: {  	s9 =	smul.u32 $0xF7A, s1;
	s8 =	simm.s32 @!p0 $0x1BF5;
	p2 =	por !p2, p0  }
0x20: {  	[sflag:s8] =	ssyncset.s32 @!p0 $0xFFFFF086;
	s6 =	sadd.s32 @!p0 s3, s7;
	s7 =	simm.s32 @!p0 $0x108  }
0x21: {  	s3 =	sadd.s32 s3, s9;
	s6 =	sadd.s32 @!p0 $0x88, s6;
	s7 =	simm.s32 @p2 $0x1082  }
0x22: {  	[simem:s7], [sflag:s8] =	dma.local @!p0 [hbm:s6], $0xF7A  }
0x23: {  	s9 =	sor.u32 $0xD0000000, s2;
	s6 =	simm.s32 $0x108;
	_ =	swait.ge @!p0 [sflag:s8], $0x0  }
0x24: {  	s3 =	sadd.s32 $0x88, s3;
	s6 =	simm.s32 @!p1 $0x1082;
	[sflag:s4] =	ssyncset.s32 $0xFFFFF086  }
0x25: {  	[simem:s6], [sflag:s4] =	dma.local [hbm:s3], $0xF7A  }
0x26: {  	[smem:$0x3F9F] =	sst s1;
	(tag) =	ssettag s2;
	_ =	strace s9  }
0x27: {  	s1 =	sld [smem:$0x3FAF]  }
0x28: {  	s2 =	sld [smem:$0x3FB0]  }
0x29: {  	s4 =	sld [smem:$0x3FB2]  }
0x2a: {  	p0 =	seq.s32 s5, $0x0;
	s5 =	sld [smem:$0x3FB3]  }
0x2b: {  	s6 =	sld [smem:$0x3FB4]  }
0x2c: {  	s7 =	sld [smem:$0x3FB5]  }
0x2d: {  	s3 =	simm.s32 $0x108;
	s8 =	sld [smem:$0x3FB6]  }
0x2e: {  	s3 =	simm.s32 @!p0 $0x1082;
	s9 =	sld [smem:$0x3FB7]  }
0x2f: {  	lr =	sadd.s32 s0, s3;
	s0 =	sld [smem:$0x3FAE]  }
0x30: {  	s3 =	sld [smem:$0x3FB1]  }
0x31: {  	[smem:$0x3FBA] =	sst s10  }
0x32: {  	s10 =	sld [smem:$0x3FB8];
	_ =	sdelay $0x3  }
0x33: {  	p0 =	seq.s32 s10, $0x1;
	s10 =	sld [smem:$0x3FBA];
	_ =	sdelay $0x3  }
0x34: {  	[smem:$0x3FBA] =	sst s10  }
0x35: {  	s10 =	sld [smem:$0x3FB9];
	_ =	sdelay $0x3  }
0x36: {  	p1 =	seq.s32 s10, $0x1;
	s10 =	sld [smem:$0x3FBA];
	_ =	sdelay $0x3  }
0x37: {  	[smem:$0x3FBA] =	sst s10  }
0x38: {  	s10 =	sld [smem:$0x3FBB]  }
0x39: {  	_ = 	snop;
	(pc) =	sbr.ind lr, $3  }
0x3a: {  	_ = 	snop  }
0x3b: {  	_ = 	snop  }
0x3c: {  	p2 =	seq.s32 s10, $0x1;
	s10 =	sld [smem:$0x3FBA]  }
0x3d: {  	_ =	shalt  }
0x3e: {  	_ =	shalt  }
0x3f: {  	_ =	shalt  }
0x40: {  	_ =	shalt  }
0x41: {  	_ =	shalt  }
0x42: {  	_ =	shalt  }
0x43: {  	_ =	shalt  }
0x44: {  	_ =	shalt  }
0x45: {  	_ =	shalt  }
0x46: {  	_ =	shalt  }
0x47: {  	_ =	shalt  }
0x48: {  	_ =	shalt  }
0x49: {  	_ =	shalt  }
0x4a: {  	_ =	shalt  }
0x4b: {  	_ =	shalt  }
0x4c: {  	_ =	shalt  }
0x4d: {  	_ =	shalt  }
0x4e: {  	_ =	shalt  }
0x4f: {  	_ =	shalt  }
0x50: {  	_ =	shalt  }
0x51: {  	_ =	shalt  }
0x52: {  	_ =	shalt  }
0x53: {  	_ =	shalt  }
0x54: {  	_ =	shalt  }
0x55: {  	_ =	shalt  }
0x56: {  	_ =	shalt  }
0x57: {  	_ =	shalt  }
0x58: {  	_ =	shalt  }
0x59: {  	_ =	shalt  }
0x5a: {  	_ =	shalt  }
0x5b: {  	_ =	shalt  }
0x5c: {  	_ =	shalt  }
0x5d: {  	_ =	shalt  }
0x5e: {  	_ =	shalt  }
0x5f: {  	_ =	shalt  }
0x60: {  	_ =	shalt  }
0x61: {  	_ =	shalt  }
0x62: {  	_ =	shalt  }
0x63: {  	_ =	shalt  }
0x64: {  	_ =	shalt  }
0x65: {  	_ =	shalt  }
0x66: {  	_ =	shalt  }
0x67: {  	_ =	shalt  }
0x68: {  	_ =	shalt  }
0x69: {  	_ =	shalt  }
0x6a: {  	_ =	shalt  }
0x6b: {  	_ =	shalt  }
0x6c: {  	_ =	shalt  }
0x6d: {  	_ =	shalt  }
0x6e: {  	_ =	shalt  }
0x6f: {  	_ =	shalt  }
0x70: {  	_ =	shalt  }
0x71: {  	_ =	shalt  }
0x72: {  	_ =	shalt  }
0x73: {  	_ =	shalt  }
0x74: {  	_ =	shalt  }
0x75: {  	_ =	shalt  }
0x76: {  	_ =	shalt  }
0x77: {  	_ =	shalt  }
0x78: {  	_ =	shalt  }
0x79: {  	_ =	shalt  }
0x7a: {  	_ =	shalt  }
0x7b: {  	_ =	shalt  }
0x7c: {  	_ =	shalt  }
0x7d: {  	_ =	shalt  }
0x7e: {  	_ =	shalt  }
0x7f: {  	_ =	shalt  }
0x80: {  	_ =	shalt  }
0x81: {  	_ =	shalt  }
0x82: {  	_ =	shalt  }
0x83: {  	_ =	shalt  }
0x84: {  	_ =	shalt  }
0x85: {  	_ =	shalt  }
0x86: {  	_ =	shalt  }
0x87: {  	_ =	shalt  }
.Lfunc_end0:
.L_simem_size_0:
called_computation_lowered:
.L_overlay_start_0:
0x88: {  	s2 =	sld [smem:$0x3FD9]  }
0x89: {  	s3 =	sld [smem:$0x3FFE];
	_ =	sdelay $0x1  }
0x8a: {  	s1 =	srdreg.scid  }
0x8b: {  	s0 =	sand.u32 $0x1, s1  }
0x8c: {  	s14 =	sshll.u32 s0, $0xA;
	s2 =	sadd.s32 s3, s2  }
0x8d: {  	s2 =	sadd.s32 s2, s14  }
0x8e: {  	[smem:$0x3FC6] =	sst s2  }
0x8f: {  	_ = 	snop  }
0x90: {  	s2 =	sld [smem:$0x3FD0];
	_ =	sdelay $0x2  }
0x91: {  	s15 =	simm.s32 $0xA;
	s4 =	simm.s32 $0x10  }
0x92: {  	[smem:s4], [sflag:s15] =	dma.local [hbm:s2], $0x1  }
0x93: {  	_ =	swait.eq [sflag:s15], $0x1  }
0x94: {  	[sflag:s15] =	ssyncset.done $0x0  }
0x95: {  	[sflag:s15] =	ssyncadd.s32 $0xFFFFFFFF  }
0x96: {  	s16 =	sld [smem:$0x11];
	(tm) =	ssettm $0x1  }
0x97: {  	s17 =	sld [smem:$0x3FFB];
	_ =	sdelay $0x3  }
0x98: {  	_ =	strace s17  }
0x99: {  	s3 =	sld [smem:$0x3FFC];
	_ =	sdelay $0x3  }
0x9a: {  	_ =	strace s3  }
0x9b: {  	s3 =	sld [smem:$0x3FFD];
	_ =	sdelay $0x3  }
0x9c: {  	_ =	strace s3  }
0x9d: {  	_ =	strace $0x8FFFFFFF  }
0x9e: {  	s18 =	sld [smem:$0x3FDB];
	_ =	sdelay $0x1  }
0x9f: {  	s19 =	simm.s32 $_scs_section_size  }
0xa0: {  	s5 =	simm.s32 $_size__tile_overlayer_lowered;
	s6 =	simm.s32 $_tile_overlayer_lowered  }
0xa1: {  	s22 =	simm.s32 $0x1BFF;
	s21 =	sshll.u32 s6, $0x1;
	s3 =	sadd.s32 s19, s18  }
0xa2: {  	s7 =	simm.s32 $0x0;
	s20 =	sshll.u32 s5, $0x1;
	s5 =	sadd.s32 s21, s3  }
0xa3: {  	[timem:s7], [sflag:s22] =	dma.local [hbm:s5], s20  }
0xa4: {  	_ =	swait.ge [sflag:s22], s20  }
0xa5: {  	s4 =	ssub.s32 $0x0, s20;
	[sflag:s22] =	ssyncset.done $0x0  }
0xa6: {  	[sflag:s22] =	ssyncadd.s32 s4;
	_ =	sdelay $0x1  }
0xa7: {  	s23 =	simm.s32 $0x1B8B  }
0xa8: {  	_ =	swait.ge [sflag:s23], $0x1  }
0xa9: {  	[sflag:s23] =	ssyncset.done $0x0  }
0xaa: {  	s25 =	simm.s32 $0x1B8E;
	s24 =	sld [smem:$0x3FFE];
	[sflag:s23] =	ssyncadd.s32 $0xFFFFFFFF  }
0xab: {  	s26 =	simm.s32 $execute0_lowered;
	[smem:$0x3FD2] =	sst s25  }
0xac: {  	s5 =	sshll.u32 s26, $0x1;
	_ =	strace $0x80000046;
	[dreg:$0x1] =	wrdreg $0xFFFFFFFF  }
0xad: {  	s28 =	simm.s32 $_size_execute0_lowered;
	s3 =	sadd.s32 s3, s5;
	[dreg:$0x0] =	wrdreg $0x0  }
0xae: {  	s5 =	sshll.u32 s28, $0x1;
	[dreg:$0x2] =	wrdreg s3  }
0xaf: {  	[dreg:$0x3] =	wrdreg s5  }
0xb0: {  	[dreg:$0x4] =	wrdreg $0xC0  }
0xb1: {  	_ =	task [dreg:s7], $0x5FFFF  }
0xb2: {  	[dreg:$0x1] =	wrdreg $0xFFFFFFFF  }
0xb3: {  	[dreg:$0x0] =	wrdreg $0x60  }
0xb4: {  	[dreg:$0x2] =	wrdreg s24  }
0xb5: {  	[dreg:$0x3] =	wrdreg s16  }
0xb6: {  	[dreg:$0x4] =	wrdreg $0x9  }
0xb7: {  	_ =	task.clear_ibuf [dreg:s7], $0x5FFFF;
	_ =	strace $0x90000046  }
0xb8: {  	s29 =	simm.s32 $0x9;
	_ =	strace $0x80000048  }
0xb9: {  	_ =	swait.ge [sflag:s29], $0x1  }
0xba: {  	[sflag:s29] =	ssyncadd.s32 $0xFFFFFFFF  }
0xbb: {  	_ =	strace $0x90000048  }
0xbc: {  	_ =	sfence  }
0xbd: {  	s30 =	sld [smem:$0x0];
	_ =	sdelay $0x2  }
0xbe: {  	s31 =	sshll.u32 s1, $0xD;
	s1 =	sshrl.u32 s1, $0x2  }
0xbf: {  	s3 =	sand.u32 $0x4000, s31;
	s1 =	sadd.s32 s1, s30  }
0xc0: {  	s0 =	sor.u32 s3, s0;
	s1 =	sshll.u32 s1, $0x11  }
0xc1: {  	s0 =	sor.u32 s1, s0  }
0xc2: {  	s0 =	sadd.s32 $0x8F2B, s0  }
0xc3: {  	[sflag:s0] =	ssyncadd.remote.s32 $0x1  }
0xc4: {  	_ =	sfence.sel $0xFFFF  }
0xc5: {  	[dreg:$0x0] =	wrdreg $0xFFFFFFFF;
	(pc) =	sbr.abs _section_cstart, $3  }
0xc6: {  	[dreg:$0x1] =	wrdreg $0xFFFFFFFF  }
0xc7: {  	_ =	task.clear_ibuf [dreg:s7], $0x2FFFF;
	_ =	strace $0x9FFFFFFF  }
0xc8: {  	(tm) =	ssettm $0x7FFFFFFF  }
0xc9: {  	_ =	shalt  }
tec
execute0_lowered:
.L_overlay_start_1:
0x0: {  	(tag) =	ssettag $0x1  }
0x1: {  	s1 =	srdreg.scid  }
0x2: {  	s11 =	rddreg [dreg:$0x0];
	s0 =	stileid.u32;
	s12 =	sand.u32 $0x1, s1  }
0x3: {  	s5 =	rddreg [dreg:$0x1];
	s3 =	sshll.u32 s0, $0x9;
	s4 =	sshll.u32 s12, $0x8  }
0x4: {  	s2 =	simm.s32 $0x0;
	s1 =	rddreg [dreg:$0x2];
	s13 =	sor.u32 s4, s3  }
0x5: {  	[smem:$0x7FF] =	sst s2;
	s3 =	sshrl.u32 s13, $0x3  }
0x6: {  	_ =	strace $0x80000047;
	s4 =	sadd.s32 s5, s3;
	s3 =	simm.s32 $0x2  }
0x7: {  	[tilespmem:s2], [sflag:$0x2] =	stream.linear.gather [hbm4b:s4+s2], $0x80, $0x38;
	[tilespmem:$0x8100] =	vst v63  }
0x8: {  	s14 =	sor.u32 $0x80, s13;
	_ =	swait.ge [sflag:s3], $0x80  }
0x9: {  	s6 =	sshrl.u32 s14, $0x3;
	[sflag:s3] =	ssyncset.done $0x0  }
0xa: {  	s5 =	sadd.s32 s5, s6;
	s6 =	simm.s32 $0x80;
	[sflag:s3] =	ssyncadd.s32 $0xFFFFFF80  }
0xb: {  	[tilespmem:s6], [sflag:$0x2] =	stream.linear.gather [hbm4b:s5+s2], $0x80, $0x38;
	[tilespmem:$0x8100] =	vst v63  }
0xc: {  	_ =	swait.ge [sflag:s3], $0x80  }
0xd: {  	[sflag:s3] =	ssyncset.done $0x0  }
0xe: {  	s8 =	simm.s32 $0x100;
	s7 =	sadd.s32 $0x800, s11;
	[sflag:s3] =	ssyncadd.s32 $0xFFFFFF80  }
0xf: {  	[tilespmem:s8], [sflag:$0x1] =	stream.indirect.gather [hbm4b:s7+s6], $0x80, s2, s6, $0xb8;
	[tilespmem:$0x8100] =	vst v63  }
0x10: {  	s9 =	simm.s32 $0x4100;
	s10 =	simm.s32 $0x1  }
0x11: {  	[tilespmem:s9], [sflag:$0x1] =	stream.indirect.gather [hbm4b:s7+s6], $0x80, s6, s6, $0xb8;
	[tilespmem:$0x8100] =	vst v63  }
0x12: {  	_ =	swait.ge [sflag:s10], $0x4000  }
0x13: {  	[sflag:s10] =	ssyncset.done $0x0  }
0x14: {  	s12 =	ssub.s32 $0x2, s12;
	[sflag:s10] =	ssyncadd.s32 $0xFFFFC000  }
0x15: {  	s15 =	sadd.s32 $0x20800, s11;
	s30 =	sshrl.u32 s12, $0x1;
	_ =	swait.ge [sflag:s10], $0x4000  }
0x16: {  	s29 =	sshll.u32 s13, $0x4;
	s13 =	ssub.s32 s12, s30;
	[sflag:s10] =	ssyncset.done $0x0  }
0x17: {  	s11 =	sadd.s32 s15, s29;
	s13 =	smax.u32 s13, $0x1;
	[sflag:s10] =	ssyncadd.s32 $0xFFFFC000  }
0x18: {  	[hbm4b:s11+s2] =	stream.linear.scatter [tilespmem:s8], [sflag:$0x2], $0x4000, $0x38;
	[tilespmem:$0x8100] =	vst v63  }
0x19: {  	p0 =	sne.s32 s13, $0x1;
	_ =	swait.ge [sflag:s3], $0x4000  }
.Ltmp0:
0x1a: {  	s31 =	sshll.u32 s14, $0x4;
	[sflag:s3] =	ssyncset.done $0x0;
	(pc) =	sbr.rel @!p0 .LBB2_2-.Ltmp0, $4  }
0x1b: {  	s12 =	sadd.s32 s15, s31;
	[sflag:s3] =	ssyncadd.s32 $0xFFFFC000  }
0x1c: {  	[hbm4b:s12+s2] =	stream.linear.scatter [tilespmem:s9], [sflag:$0x2], $0x4000, $0x38;
	[tilespmem:$0x8100] =	vst v63  }
0x1d: {  	_ =	swait.ge [sflag:s3], $0x4000  }
0x1e: {  	s13 =	sadd.s32 $0xFFFFFFFF, s13;
	[sflag:s3] =	ssyncset.done $0x0  }
.LBB2_1:
0x1f: {  	p0 =	sne.s32 s13, $0x1;
	s13 =	sadd.s32 $0xFFFFFFFF, s13;
	[sflag:s3] =	ssyncadd.s32 $0xFFFFC000  }
0x20: {  	[tilespmem:s2], [sflag:$0x2] =	stream.linear.gather [hbm4b:s4+s2], $0x80, $0x38;
	[tilespmem:$0x8100] =	vst v63  }
0x21: {  	_ =	swait.ge [sflag:s3], $0x80  }
0x22: {  	[sflag:s3] =	ssyncset.done $0x0  }
0x23: {  	[sflag:s3] =	ssyncadd.s32 $0xFFFFFF80  }
0x24: {  	[tilespmem:s6], [sflag:$0x2] =	stream.linear.gather [hbm4b:s5+s2], $0x80, $0x38;
	[tilespmem:$0x8100] =	vst v63  }
0x25: {  	_ =	swait.ge [sflag:s3], $0x80  }
0x26: {  	[sflag:s3] =	ssyncset.done $0x0  }
0x27: {  	[sflag:s3] =	ssyncadd.s32 $0xFFFFFF80  }
0x28: {  	[tilespmem:s8], [sflag:$0x1] =	stream.indirect.gather [hbm4b:s7+s6], $0x80, s2, s6, $0xb8;
	[tilespmem:$0x8100] =	vst v63  }
0x29: {  	_ = 	snop  }
0x2a: {  	[tilespmem:s9], [sflag:$0x1] =	stream.indirect.gather [hbm4b:s7+s6], $0x80, s6, s6, $0xb8;
	[tilespmem:$0x8100] =	vst v63  }
0x2b: {  	_ =	swait.ge [sflag:s10], $0x4000  }
0x2c: {  	[sflag:s10] =	ssyncset.done $0x0  }
0x2d: {  	[sflag:s10] =	ssyncadd.s32 $0xFFFFC000  }
0x2e: {  	_ =	swait.ge [sflag:s10], $0x4000  }
0x2f: {  	[sflag:s10] =	ssyncset.done $0x0  }
0x30: {  	[sflag:s10] =	ssyncadd.s32 $0xFFFFC000  }
0x31: {  	[hbm4b:s11+s2] =	stream.linear.scatter [tilespmem:s8], [sflag:$0x2], $0x4000, $0x38;
	[tilespmem:$0x8100] =	vst v63  }
0x32: {  	_ =	swait.ge [sflag:s3], $0x4000  }
.Ltmp1:
0x33: {  	[sflag:s3] =	ssyncset.done $0x0;
	(pc) =	sbr.rel @p0 .LBB2_1-.Ltmp1, $4  }
0x34: {  	[sflag:s3] =	ssyncadd.s32 $0xFFFFC000  }
0x35: {  	[hbm4b:s12+s2] =	stream.linear.scatter [tilespmem:s9], [sflag:$0x2], $0x4000, $0x38;
	[tilespmem:$0x8100] =	vst v63  }
0x36: {  	_ =	swait.ge [sflag:s3], $0x4000  }
0x37: {  	[sflag:s3] =	ssyncset.done $0x0  }
.LBB2_2:
0x38: {  	[sflag:s3] =	ssyncadd.s32 $0xFFFFC000  }
0x39: {  	_ =	sfence.sel $0x180000  }
0x3a: {  	[bflag:$0x0] =	sbarrier.arrive $0xFFFF  }
0x3b: {  	p0 =	sne.s32 s0, $0x0;
	_ =	strace $0x90000047  }
0x3c: {  	s0 =	sadd.s32 @!p0 $0x100000, s1;
	[bflag:$0x2] =	sbarrier.arrive $0xFFFF  }
0x3d: {  	[sflag:s0] =	ssyncadd.tile.s32 @!p0 $0x1;
	_ =	shalt  }
.Lfunc_end2:
_tile_overlayer_lowered:
.L_overlay_start_2:
0x3e: {  	(tag) =	ssettag $0x2  }
0x3f: {  	s0 =	rddreg [dreg:$0x0];
	s2 =	stileid.u32  }
0x40: {  	s1 =	rddreg [dreg:$0x1];
	p0 =	sne.s32 s2, $0x0  }
0x41: {  	s3 =	rddreg [dreg:$0x2];
	[bflag:$0x3] =	sbarrier.arrive $0xFFFF;
	s2 =	simm.s32 @!p0 $0x1C02  }
0x42: {  	[timem:s3], [sflag:s2] =	dma.local @!p0 [hbm:s0], s1  }
0x43: {  	s0 =	simm.s32 @!p0 $0x2  }
0x44: {  	_ =	swait.ge @!p0 [sflag:s0], s1  }
0x45: {  	s1 =	ssub.s32 @!p0 $0x0, s1;
	[sflag:s0] =	ssyncset.done @!p0 $0x0  }
0x46: {  	[sflag:s0] =	ssyncadd.s32 @!p0 s1  }
0x47: {  	[bflag:$0x3] =	sbarrier.arrive $0xFFFF  }
0x48: {  	_ =	shalt  }

</sc_bundles>
